<compile_context>
chip_gen: v7x
topology: tpu7x:2x2x1
jax: 0.10.2.dev20260603
libtpu: 0.0.44.dev20260713+nightly
codegen_flags: <defaults>
</compile_context>

<pallas_src>
import jax
import jax.numpy as jnp
from jax.experimental import pallas as pl
from jax.experimental.pallas import tpu as pltpu
from jax.experimental.pallas import tpu_sc as plsc

_PB = 16


def _body(t_ref, a_ref, c_ref, x_ref, eps_ref, x0_ref, np_ref):
    g = pl.program_id(0)
    np_ref[...] = eps_ref[...]
    for j in range(_PB):
        ti = t_ref[g * _PB + j]
        x0_ref[j] = a_ref[ti] * x_ref[j] - c_ref[ti] * eps_ref[j]


def _tc_part(x_t, model_preds, t, srac, srm1ac):
    B, C, H, W = x_t.shape
    blk = pl.BlockSpec((_PB, C, H, W), lambda g, *_: (g, 0, 0, 0))
    grid_spec = pltpu.PrefetchScalarGridSpec(
        num_scalar_prefetch=3,
        grid=(B // _PB,),
        in_specs=[blk, blk],
        out_specs=[blk, blk],
    )
    out = jax.ShapeDtypeStruct(x_t.shape, x_t.dtype)
    return pl.pallas_call(
        _body,
        grid_spec=grid_spec,
        out_shape=[out, out],
    )(t, srac, srm1ac, x_t, model_preds)


def _sc_copy(noise):
    mesh = plsc.VectorSubcoreMesh(core_axis_name="core",
                                  subcore_axis_name="subcore")
    B, C, H, W = noise.shape

    @pl.kernel(out_type=jax.ShapeDtypeStruct(noise.shape, noise.dtype),
               mesh=mesh,
               scratch_types=[pltpu.VMEM((1, C, H, W), jnp.float32),
                              pltpu.SemaphoreType.DMA,
                              pltpu.SemaphoreType.DMA])
    def sc_copy(nz_hbm, tg_hbm, buf, insem, outsem):
        core = jax.lax.axis_index("core")
        sub = jax.lax.axis_index("subcore")
        wid = core * mesh.num_subcores + sub
        pltpu.async_copy(nz_hbm.at[pl.ds(wid, 1)], buf, insem).wait()
        pltpu.async_copy(buf, tg_hbm.at[pl.ds(wid, 1)], outsem).wait()

    return sc_copy(noise)


def kernel(model_preds, x_t, x_0, noise, t,
           sqrt_recip_alphas_cumprod, sqrt_recipm1_alphas_cumprod):
    x0p, np_ = _tc_part(x_t, model_preds, t,
                        sqrt_recip_alphas_cumprod, sqrt_recipm1_alphas_cumprod)
    tg = _sc_copy(noise)
    return (np_, x0p, tg)

# --- scband reference (transcript-rebuilt; emitter-appended) ---
"""Pipeline reference for scband-diffusion-schedule-83202106458619 (READ-ONLY COPY).

The authoritative reference and input builder live on the scoring server;
editing this copy changes nothing except your own understanding.
"""

import jax, jax.numpy as jnp
import numpy as np

NUM_TIMESTEPS = 1000
LINEAR_START = 0.0085
LINEAR_END = 0.012


def _make_buffers():
    # linear_sd / scaled_linear schedule, float64 then cast, matching torch reference
    betas = (np.linspace(LINEAR_START ** 0.5, LINEAR_END ** 0.5, NUM_TIMESTEPS) ** 2).astype(np.float64)
    alphas = 1.0 - betas
    alphas_cumprod = np.cumprod(alphas, axis=0).astype(np.float32)
    sqrt_recip_alphas_cumprod = jnp.asarray(np.sqrt(1.0 / alphas_cumprod), dtype=jnp.float32)
    sqrt_recipm1_alphas_cumprod = jnp.asarray(np.sqrt(1.0 / alphas_cumprod - 1.0), dtype=jnp.float32)
    return sqrt_recip_alphas_cumprod, sqrt_recipm1_alphas_cumprod


def _extract_into_tensor(a, t, ndim):
    # gather per-sample coefficients, reshape to [B,1,1,...] for broadcast
    out = jnp.take(a, t, axis=0)
    return out.reshape(out.shape[0], *((1,) * (ndim - 1)))


def setup_inputs(seed: int = 0) -> dict:
    key = jax.random.key(seed)
    k1, k2, k3, k4, k5 = jax.random.split(key, 5)
    shape = (32, 4, 64, 64)
    srac, srm1ac = _make_buffers()
    return {
        "model_preds": jax.random.normal(k1, shape, dtype=jnp.float32),
        "x_t": jax.random.normal(k2, shape, dtype=jnp.float32),
        "x_0": jax.random.normal(k3, shape, dtype=jnp.float32),
        "noise": jax.random.normal(k4, shape, dtype=jnp.float32),
        "t": jax.random.randint(k5, (32,), 0, NUM_TIMESTEPS, dtype=jnp.int32),
        "sqrt_recip_alphas_cumprod": srac,
        "sqrt_recipm1_alphas_cumprod": srm1ac,
    }


def reference(model_preds, x_t, x_0, noise, t, sqrt_recip_alphas_cumprod, sqrt_recipm1_alphas_cumprod):
    # parameterization == 'eps'
    noise_preds = model_preds
    # predict_x_0_from_noise with detached model_preds (torch .detach())
    eps = jax.lax.stop_gradient(noise_preds)
    x_0_preds = (
        _extract_into_tensor(sqrt_recip_alphas_cumprod, t, x_t.ndim) * x_t
        - _extract_into_tensor(sqrt_recipm1_alphas_cumprod, t, x_t.ndim) * eps
    )
    # for eps parameterization the regression target is the injected noise
    target = noise
    return (noise_preds, x_0_preds, target)

if __name__ == "__main__":
    import jax
    _d = setup_inputs()
    print(jax.jit(kernel)(*tuple(_d.values())))

</pallas_src>

<mosaic_0001>
#map = affine_map<(d0, d1) -> (0, 0, 0, 0)>
module attributes {stable_mosaic.version = 14 : i64} {
  func.func @sc_copy(%arg0: i32, %arg1: i32, %arg2: memref<32x4x64x64xf32, #tpu.memory_space<hbm>>, %arg3: memref<32x4x64x64xf32, #tpu.memory_space<hbm>>, %arg4: memref<1x4x64x64xf32, #tpu.memory_space<vmem>>, %arg5: memref<!tpu.dma_semaphore, #tpu.memory_space<semaphore_mem>>, %arg6: memref<!tpu.dma_semaphore, #tpu.memory_space<semaphore_mem>>) attributes {dimension_semantics = [#tpu.dimension_semantics<core_parallel>, #tpu.dimension_semantics<subcore_parallel>], iteration_bounds = array<i64: 2, 16>, scalar_prefetch = 0 : i64, scratch_operands = 3 : i64, tpu.core_type = #tpu.core_type<sc_vector_subcore>, window_params = [{transform_indices = #map}, {transform_indices = #map}]} {
    %mul3A = arith.constant 16 : i32
    %mul3A_0 = arith.muli %arg0, %mul3A : i32
    %add3A = arith.addi %mul3A_0, %arg1 : i32
    %dma_start3A = arith.constant 0 : i32
    %dma_start3A_1 = arith.constant 0 : i32
    %dma_start3A_2 = arith.constant 0 : i32
    %dma_start3A_3 = tpu.memref_slice %arg2[%add3A, %dma_start3A, %dma_start3A_1, %dma_start3A_2] : memref<32x4x64x64xf32, #tpu.memory_space<hbm>> -> memref<1x4x64x64xf32, #tpu.memory_space<hbm>>
    %dma_start3A_4 = arith.constant 0 : i32
    %dma_start3A_5 = arith.constant 0 : i32
    %dma_start3A_6 = arith.constant 0 : i32
    %dma_start3A_7 = tpu.memref_slice %arg2[%add3A, %dma_start3A_4, %dma_start3A_5, %dma_start3A_6] : memref<32x4x64x64xf32, #tpu.memory_space<hbm>> -> memref<1x4x64x64xf32, #tpu.memory_space<hbm>>
    tpu.enqueue_dma source(%dma_start3A_7 : memref<1x4x64x64xf32, #tpu.memory_space<hbm>>) target(%arg4 : memref<1x4x64x64xf32, #tpu.memory_space<vmem>>) target_semaphore(%arg5 : memref<!tpu.dma_semaphore, #tpu.memory_space<semaphore_mem>>)
    %dma_wait3A = arith.constant 0 : i32
    %dma_wait3A_8 = arith.constant 0 : i32
    %dma_wait3A_9 = arith.constant 0 : i32
    %dma_wait3A_10 = tpu.memref_slice %arg2[%add3A, %dma_wait3A, %dma_wait3A_8, %dma_wait3A_9] : memref<32x4x64x64xf32, #tpu.memory_space<hbm>> -> memref<1x4x64x64xf32, #tpu.memory_space<hbm>>
    %dma_wait3A_11 = arith.constant 0 : i32
    %dma_wait3A_12 = arith.constant 0 : i32
    %dma_wait3A_13 = arith.constant 0 : i32
    %dma_wait3A_14 = tpu.memref_slice %arg2[%add3A, %dma_wait3A_11, %dma_wait3A_12, %dma_wait3A_13] : memref<32x4x64x64xf32, #tpu.memory_space<hbm>> -> memref<1x4x64x64xf32, #tpu.memory_space<hbm>>
    tpu.wait_dma2 semaphore(%arg5 : memref<!tpu.dma_semaphore, #tpu.memory_space<semaphore_mem>>) src(%dma_wait3A_14 : memref<1x4x64x64xf32, #tpu.memory_space<hbm>>) dst(%arg4 : memref<1x4x64x64xf32, #tpu.memory_space<vmem>>)
    %dma_start3A_15 = arith.constant 0 : i32
    %dma_start3A_16 = arith.constant 0 : i32
    %dma_start3A_17 = arith.constant 0 : i32
    %dma_start3A_18 = tpu.memref_slice %arg3[%add3A, %dma_start3A_15, %dma_start3A_16, %dma_start3A_17] : memref<32x4x64x64xf32, #tpu.memory_space<hbm>> -> memref<1x4x64x64xf32, #tpu.memory_space<hbm>>
    %dma_start3A_19 = arith.constant 0 : i32
    %dma_start3A_20 = arith.constant 0 : i32
    %dma_start3A_21 = arith.constant 0 : i32
    %dma_start3A_22 = tpu.memref_slice %arg3[%add3A, %dma_start3A_19, %dma_start3A_20, %dma_start3A_21] : memref<32x4x64x64xf32, #tpu.memory_space<hbm>> -> memref<1x4x64x64xf32, #tpu.memory_space<hbm>>
    tpu.enqueue_dma source(%arg4 : memref<1x4x64x64xf32, #tpu.memory_space<vmem>>) target(%dma_start3A_22 : memref<1x4x64x64xf32, #tpu.memory_space<hbm>>) target_semaphore(%arg6 : memref<!tpu.dma_semaphore, #tpu.memory_space<semaphore_mem>>)
    %dma_wait3A_23 = arith.constant 0 : i32
    %dma_wait3A_24 = arith.constant 0 : i32
    %dma_wait3A_25 = arith.constant 0 : i32
    %dma_wait3A_26 = tpu.memref_slice %arg3[%add3A, %dma_wait3A_23, %dma_wait3A_24, %dma_wait3A_25] : memref<32x4x64x64xf32, #tpu.memory_space<hbm>> -> memref<1x4x64x64xf32, #tpu.memory_space<hbm>>
    %dma_wait3A_27 = arith.constant 0 : i32
    %dma_wait3A_28 = arith.constant 0 : i32
    %dma_wait3A_29 = arith.constant 0 : i32
    %dma_wait3A_30 = tpu.memref_slice %arg3[%add3A, %dma_wait3A_27, %dma_wait3A_28, %dma_wait3A_29] : memref<32x4x64x64xf32, #tpu.memory_space<hbm>> -> memref<1x4x64x64xf32, #tpu.memory_space<hbm>>
    tpu.wait_dma2 semaphore(%arg6 : memref<!tpu.dma_semaphore, #tpu.memory_space<semaphore_mem>>) src(%arg4 : memref<1x4x64x64xf32, #tpu.memory_space<vmem>>) dst(%dma_wait3A_30 : memref<1x4x64x64xf32, #tpu.memory_space<hbm>>)
    return
  }
}

module attributes {stable_mosaic.version = 14 : i64} {
  func.func @_body(%arg0: i32, %arg1: memref<32xi32, #tpu.memory_space<smem>>, %arg2: memref<1000xf32, #tpu.memory_space<smem>>, %arg3: memref<1000xf32, #tpu.memory_space<smem>>, %arg4: memref<16x4x64x64xf32, #tpu.memory_space<vmem>>, %arg5: memref<16x4x64x64xf32, #tpu.memory_space<vmem>>, %arg6: memref<16x4x64x64xf32, #tpu.memory_space<vmem>>, %arg7: memref<16x4x64x64xf32, #tpu.memory_space<vmem>>) attributes {dimension_semantics = [#tpu.dimension_semantics<arbitrary>], iteration_bounds = array<i64: 2>, scalar_prefetch = 3 : i64, scratch_operands = 0 : i64, tpu.core_type = #tpu.core_type<tc>, window_params = [{transform_indices = @transform_0, window_bounds = array<i64: 16, 4, 64, 64>}, {transform_indices = @transform_1, window_bounds = array<i64: 16, 4, 64, 64>}, {transform_indices = @transform_2, window_bounds = array<i64: 16, 4, 64, 64>}, {transform_indices = @transform_3, window_bounds = array<i64: 16, 4, 64, 64>}]} {
    %get3A = arith.constant 0 : index
    %get3A_0 = arith.constant 0 : index
    %get3A_1 = arith.constant 0 : index
    %get3A_2 = arith.constant 0 : index
    %get3A_3 = vector.load %arg5[%get3A, %get3A_0, %get3A_1, %get3A_2] : memref<16x4x64x64xf32, #tpu.memory_space<vmem>>, vector<16x4x64x64xf32>
    %swap3A = arith.constant 0 : index
    %swap3A_4 = arith.constant 0 : index
    %swap3A_5 = arith.constant 0 : index
    %swap3A_6 = arith.constant 0 : index
    %swap3A_7 = vector.load %arg7[%swap3A, %swap3A_4, %swap3A_5, %swap3A_6] : memref<16x4x64x64xf32, #tpu.memory_space<vmem>>, vector<16x4x64x64xf32>
    tpu.vector_store %arg7[%swap3A, %swap3A_4, %swap3A_5, %swap3A_6], %get3A_3 {strides = array<i32>} : memref<16x4x64x64xf32, #tpu.memory_space<vmem>>, vector<16x4x64x64xf32>,
    %mul3A = arith.constant 16 : i32
    %mul3A_8 = arith.muli %arg0, %mul3A : i32
    %add3A = arith.constant 0 : i32
    %add3A_9 = arith.addi %mul3A_8, %add3A : i32
    %get3A_10 = arith.index_cast %add3A_9 : i32 to index
    %get3A_11 = memref.load %arg1[%get3A_10] : memref<32xi32, #tpu.memory_space<smem>>
    %get3A_12 = arith.index_cast %get3A_11 : i32 to index
    %get3A_13 = memref.load %arg2[%get3A_12] : memref<1000xf32, #tpu.memory_space<smem>>
    %get3A_14 = arith.constant 0 : index
    %get3A_15 = arith.constant 0 : index
    %get3A_16 = arith.constant 0 : index
    %get3A_17 = arith.constant 0 : index
    %get3A_18 = vector.load %arg4[%get3A_14, %get3A_15, %get3A_16, %get3A_17] : memref<16x4x64x64xf32, #tpu.memory_space<vmem>>, vector<1x4x64x64xf32>
    %get3A_19 = vector.shape_cast %get3A_18 : vector<1x4x64x64xf32> to vector<4x64x64xf32>
    %mul3A_20 = vector.broadcast %get3A_13 : f32 to vector<4x64x64xf32>
    %mul3A_21 = arith.mulf %mul3A_20, %get3A_19 : vector<4x64x64xf32>
    %get3A_22 = arith.index_cast %get3A_11 : i32 to index
    %get3A_23 = memref.load %arg3[%get3A_22] : memref<1000xf32, #tpu.memory_space<smem>>
    %get3A_24 = arith.constant 0 : index
    %get3A_25 = arith.constant 0 : index
    %get3A_26 = arith.constant 0 : index
    %get3A_27 = arith.constant 0 : index
    %get3A_28 = vector.load %arg5[%get3A_24, %get3A_25, %get3A_26, %get3A_27] : memref<16x4x64x64xf32, #tpu.memory_space<vmem>>, vector<1x4x64x64xf32>
    %get3A_29 = vector.shape_cast %get3A_28 : vector<1x4x64x64xf32> to vector<4x64x64xf32>
    %mul3A_30 = vector.broadcast %get3A_23 : f32 to vector<4x64x64xf32>
    %mul3A_31 = arith.mulf %mul3A_30, %get3A_29 : vector<4x64x64xf32>
    %sub3A = arith.subf %mul3A_21, %mul3A_31 : vector<4x64x64xf32>
    %swap3A_32 = arith.constant 0 : index
    %swap3A_33 = arith.constant 0 : index
    %swap3A_34 = arith.constant 0 : index
    %swap3A_35 = arith.constant 0 : index
    %swap3A_36 = vector.load %arg6[%swap3A_32, %swap3A_33, %swap3A_34, %swap3A_35] : memref<16x4x64x64xf32, #tpu.memory_space<vmem>>, vector<1x4x64x64xf32>
    %swap3A_37 = vector.shape_cast %swap3A_36 : vector<1x4x64x64xf32> to vector<4x64x64xf32>
    %swap3A_38 = vector.shape_cast %sub3A : vector<4x64x64xf32> to vector<1x4x64x64xf32>
    tpu.vector_store %arg6[%swap3A_32, %swap3A_33, %swap3A_34, %swap3A_35], %swap3A_38 {strides = array<i32>} : memref<16x4x64x64xf32, #tpu.memory_space<vmem>>, vector<1x4x64x64xf32>,
    %mul3A_39 = arith.constant 16 : i32
    %mul3A_40 = arith.muli %arg0, %mul3A_39 : i32
    %add3A_41 = arith.constant 1 : i32
    %add3A_42 = arith.addi %mul3A_40, %add3A_41 : i32
    %get3A_43 = arith.index_cast %add3A_42 : i32 to index
    %get3A_44 = memref.load %arg1[%get3A_43] : memref<32xi32, #tpu.memory_space<smem>>
    %get3A_45 = arith.index_cast %get3A_44 : i32 to index
    %get3A_46 = memref.load %arg2[%get3A_45] : memref<1000xf32, #tpu.memory_space<smem>>
    %get3A_47 = arith.constant 1 : index
    %get3A_48 = arith.constant 0 : index
    %get3A_49 = arith.constant 0 : index
    %get3A_50 = arith.constant 0 : index
    %get3A_51 = vector.load %arg4[%get3A_47, %get3A_48, %get3A_49, %get3A_50] : memref<16x4x64x64xf32, #tpu.memory_space<vmem>>, vector<1x4x64x64xf32>
    %get3A_52 = vector.shape_cast %get3A_51 : vector<1x4x64x64xf32> to vector<4x64x64xf32>
    %mul3A_53 = vector.broadcast %get3A_46 : f32 to vector<4x64x64xf32>
    %mul3A_54 = arith.mulf %mul3A_53, %get3A_52 : vector<4x64x64xf32>
    %get3A_55 = arith.index_cast %get3A_44 : i32 to index
    %get3A_56 = memref.load %arg3[%get3A_55] : memref<1000xf32, #tpu.memory_space<smem>>
    %get3A_57 = arith.constant 1 : index
    %get3A_58 = arith.constant 0 : index
    %get3A_59 = arith.constant 0 : index
    %get3A_60 = arith.constant 0 : index
    %get3A_61 = vector.load %arg5[%get3A_57, %get3A_58, %get3A_59, %get3A_60] : memref<16x4x64x64xf32, #tpu.memory_space<vmem>>, vector<1x4x64x64xf32>
    %get3A_62 = vector.shape_cast %get3A_61 : vector<1x4x64x64xf32> to vector<4x64x64xf32>
    %mul3A_63 = vector.broadcast %get3A_56 : f32 to vector<4x64x64xf32>
    %mul3A_64 = arith.mulf %mul3A_63, %get3A_62 : vector<4x64x64xf32>
    %sub3A_65 = arith.subf %mul3A_54, %mul3A_64 : vector<4x64x64xf32>
    %swap3A_66 = arith.constant 1 : index
    %swap3A_67 = arith.constant 0 : index
    %swap3A_68 = arith.constant 0 : index
    %swap3A_69 = arith.constant 0 : index
    %swap3A_70 = vector.load %arg6[%swap3A_66, %swap3A_67, %swap3A_68, %swap3A_69] : memref<16x4x64x64xf32, #tpu.memory_space<vmem>>, vector<1x4x64x64xf32>
    %swap3A_71 = vector.shape_cast %swap3A_70 : vector<1x4x64x64xf32> to vector<4x64x64xf32>
    %swap3A_72 = vector.shape_cast %sub3A_65 : vector<4x64x64xf32> to vector<1x4x64x64xf32>
    tpu.vector_store %arg6[%swap3A_66, %swap3A_67, %swap3A_68, %swap3A_69], %swap3A_72 {strides = array<i32>} : memref<16x4x64x64xf32, #tpu.memory_space<vmem>>, vector<1x4x64x64xf32>,
    %mul3A_73 = arith.constant 16 : i32
    %mul3A_74 = arith.muli %arg0, %mul3A_73 : i32
    %add3A_75 = arith.constant 2 : i32
    %add3A_76 = arith.addi %mul3A_74, %add3A_75 : i32
    %get3A_77 = arith.index_cast %add3A_76 : i32 to index
    %get3A_78 = memref.load %arg1[%get3A_77] : memref<32xi32, #tpu.memory_space<smem>>
    %get3A_79 = arith.index_cast %get3A_78 : i32 to index
    %get3A_80 = memref.load %arg2[%get3A_79] : memref<1000xf32, #tpu.memory_space<smem>>
    %get3A_81 = arith.constant 2 : index
    %get3A_82 = arith.constant 0 : index
    %get3A_83 = arith.constant 0 : index
    %get3A_84 = arith.constant 0 : index
    %get3A_85 = vector.load %arg4[%get3A_81, %get3A_82, %get3A_83, %get3A_84] : memref<16x4x64x64xf32, #tpu.memory_space<vmem>>, vector<1x4x64x64xf32>
    %get3A_86 = vector.shape_cast %get3A_85 : vector<1x4x64x64xf32> to vector<4x64x64xf32>
    %mul3A_87 = vector.broadcast %get3A_80 : f32 to vector<4x64x64xf32>
    %mul3A_88 = arith.mulf %mul3A_87, %get3A_86 : vector<4x64x64xf32>
    %get3A_89 = arith.index_cast %get3A_78 : i32 to index
    %get3A_90 = memref.load %arg3[%get3A_89] : memref<1000xf32, #tpu.memory_space<smem>>
    %get3A_91 = arith.constant 2 : index
    %get3A_92 = arith.constant 0 : index
    %get3A_93 = arith.constant 0 : index
    %get3A_94 = arith.constant 0 : index
    %get3A_95 = vector.load %arg5[%get3A_91, %get3A_92, %get3A_93, %get3A_94] : memref<16x4x64x64xf32, #tpu.memory_space<vmem>>, vector<1x4x64x64xf32>
    %get3A_96 = vector.shape_cast %get3A_95 : vector<1x4x64x64xf32> to vector<4x64x64xf32>
    %mul3A_97 = vector.broadcast %get3A_90 : f32 to vector<4x64x64xf32>
    %mul3A_98 = arith.mulf %mul3A_97, %get3A_96 : vector<4x64x64xf32>
    %sub3A_99 = arith.subf %mul3A_88, %mul3A_98 : vector<4x64x64xf32>
    %swap3A_100 = arith.constant 2 : index
    %swap3A_101 = arith.constant 0 : index
    %swap3A_102 = arith.constant 0 : index
    %swap3A_103 = arith.constant 0 : index
    %swap3A_104 = vector.load %arg6[%swap3A_100, %swap3A_101, %swap3A_102, %swap3A_103] : memref<16x4x64x64xf32, #tpu.memory_space<vmem>>, vector<1x4x64x64xf32>
    %swap3A_105 = vector.shape_cast %swap3A_104 : vector<1x4x64x64xf32> to vector<4x64x64xf32>
    %swap3A_106 = vector.shape_cast %sub3A_99 : vector<4x64x64xf32> to vector<1x4x64x64xf32>
    tpu.vector_store %arg6[%swap3A_100, %swap3A_101, %swap3A_102, %swap3A_103], %swap3A_106 {strides = array<i32>} : memref<16x4x64x64xf32, #tpu.memory_space<vmem>>, vector<1x4x64x64xf32>,
    %mul3A_107 = arith.constant 16 : i32
    %mul3A_108 = arith.muli %arg0, %mul3A_107 : i32
    %add3A_109 = arith.constant 3 : i32
    %add3A_110 = arith.addi %mul3A_108, %add3A_109 : i32
    %get3A_111 = arith.index_cast %add3A_110 : i32 to index
    %get3A_112 = memref.load %arg1[%get3A_111] : memref<32xi32, #tpu.memory_space<smem>>
    %get3A_113 = arith.index_cast %get3A_112 : i32 to index
    %get3A_114 = memref.load %arg2[%get3A_113] : memref<1000xf32, #tpu.memory_space<smem>>
    %get3A_115 = arith.constant 3 : index
    %get3A_116 = arith.constant 0 : index
    %get3A_117 = arith.constant 0 : index
    %get3A_118 = arith.constant 0 : index
    %get3A_119 = vector.load %arg4[%get3A_115, %get3A_116, %get3A_117, %get3A_118] : memref<16x4x64x64xf32, #tpu.memory_space<vmem>>, vector<1x4x64x64xf32>
    %get3A_120 = vector.shape_cast %get3A_119 : vector<1x4x64x64xf32> to vector<4x64x64xf32>
    %mul3A_121 = vector.broadcast %get3A_114 : f32 to vector<4x64x64xf32>
    %mul3A_122 = arith.mulf %mul3A_121, %get3A_120 : vector<4x64x64xf32>
    %get3A_123 = arith.index_cast %get3A_112 : i32 to index
    %get3A_124 = memref.load %arg3[%get3A_123] : memref<1000xf32, #tpu.memory_space<smem>>
    %get3A_125 = arith.constant 3 : index
    %get3A_126 = arith.constant 0 : index
    %get3A_127 = arith.constant 0 : index
    %get3A_128 = arith.constant 0 : index
    %get3A_129 = vector.load %arg5[%get3A_125, %get3A_126, %get3A_127, %get3A_128] : memref<16x4x64x64xf32, #tpu.memory_space<vmem>>, vector<1x4x64x64xf32>
    %get3A_130 = vector.shape_cast %get3A_129 : vector<1x4x64x64xf32> to vector<4x64x64xf32>
    %mul3A_131 = vector.broadcast %get3A_124 : f32 to vector<4x64x64xf32>
    %mul3A_132 = arith.mulf %mul3A_131, %get3A_130 : vector<4x64x64xf32>
    %sub3A_133 = arith.subf %mul3A_122, %mul3A_132 : vector<4x64x64xf32>
    %swap3A_134 = arith.constant 3 : index
    %swap3A_135 = arith.constant 0 : index
    %swap3A_136 = arith.constant 0 : index
    %swap3A_137 = arith.constant 0 : index
    %swap3A_138 = vector.load %arg6[%swap3A_134, %swap3A_135, %swap3A_136, %swap3A_137] : memref<16x4x64x64xf32, #tpu.memory_space<vmem>>, vector<1x4x64x64xf32>
    %swap3A_139 = vector.shape_cast %swap3A_138 : vector<1x4x64x64xf32> to vector<4x64x64xf32>
    %swap3A_140 = vector.shape_cast %sub3A_133 : vector<4x64x64xf32> to vector<1x4x64x64xf32>
    tpu.vector_store %arg6[%swap3A_134, %swap3A_135, %swap3A_136, %swap3A_137], %swap3A_140 {strides = array<i32>} : memref<16x4x64x64xf32, #tpu.memory_space<vmem>>, vector<1x4x64x64xf32>,
    %mul3A_141 = arith.constant 16 : i32
    %mul3A_142 = arith.muli %arg0, %mul3A_141 : i32
    %add3A_143 = arith.constant 4 : i32
    %add3A_144 = arith.addi %mul3A_142, %add3A_143 : i32
    %get3A_145 = arith.index_cast %add3A_144 : i32 to index
    %get3A_146 = memref.load %arg1[%get3A_145] : memref<32xi32, #tpu.memory_space<smem>>
    %get3A_147 = arith.index_cast %get3A_146 : i32 to index
    %get3A_148 = memref.load %arg2[%get3A_147] : memref<1000xf32, #tpu.memory_space<smem>>
    %get3A_149 = arith.constant 4 : index
    %get3A_150 = arith.constant 0 : index
    %get3A_151 = arith.constant 0 : index
    %get3A_152 = arith.constant 0 : index
    %get3A_153 = vector.load %arg4[%get3A_149, %get3A_150, %get3A_151, %get3A_152] : memref<16x4x64x64xf32, #tpu.memory_space<vmem>>, vector<1x4x64x64xf32>
    %get3A_154 = vector.shape_cast %get3A_153 : vector<1x4x64x64xf32> to vector<4x64x64xf32>
    %mul3A_155 = vector.broadcast %get3A_148 : f32 to vector<4x64x64xf32>
    %mul3A_156 = arith.mulf %mul3A_155, %get3A_154 : vector<4x64x64xf32>
    %get3A_157 = arith.index_cast %get3A_146 : i32 to index
    %get3A_158 = memref.load %arg3[%get3A_157] : memref<1000xf32, #tpu.memory_space<smem>>
    %get3A_159 = arith.constant 4 : index
    %get3A_160 = arith.constant 0 : index
    %get3A_161 = arith.constant 0 : index
    %get3A_162 = arith.constant 0 : index
    %get3A_163 = vector.load %arg5[%get3A_159, %get3A_160, %get3A_161, %get3A_162] : memref<16x4x64x64xf32, #tpu.memory_space<vmem>>, vector<1x4x64x64xf32>
    %get3A_164 = vector.shape_cast %get3A_163 : vector<1x4x64x64xf32> to vector<4x64x64xf32>
    %mul3A_165 = vector.broadcast %get3A_158 : f32 to vector<4x64x64xf32>
    %mul3A_166 = arith.mulf %mul3A_165, %get3A_164 : vector<4x64x64xf32>
    %sub3A_167 = arith.subf %mul3A_156, %mul3A_166 : vector<4x64x64xf32>
    %swap3A_168 = arith.constant 4 : index
    %swap3A_169 = arith.constant 0 : index
    %swap3A_170 = arith.constant 0 : index
    %swap3A_171 = arith.constant 0 : index
    %swap3A_172 = vector.load %arg6[%swap3A_168, %swap3A_169, %swap3A_170, %swap3A_171] : memref<16x4x64x64xf32, #tpu.memory_space<vmem>>, vector<1x4x64x64xf32>
    %swap3A_173 = vector.shape_cast %swap3A_172 : vector<1x4x64x64xf32> to vector<4x64x64xf32>
    %swap3A_174 = vector.shape_cast %sub3A_167 : vector<4x64x64xf32> to vector<1x4x64x64xf32>
    tpu.vector_store %arg6[%swap3A_168, %swap3A_169, %swap3A_170, %swap3A_171], %swap3A_174 {strides = array<i32>} : memref<16x4x64x64xf32, #tpu.memory_space<vmem>>, vector<1x4x64x64xf32>,
    %mul3A_175 = arith.constant 16 : i32
    %mul3A_176 = arith.muli %arg0, %mul3A_175 : i32
    %add3A_177 = arith.constant 5 : i32
    %add3A_178 = arith.addi %mul3A_176, %add3A_177 : i32
    %get3A_179 = arith.index_cast %add3A_178 : i32 to index
    %get3A_180 = memref.load %arg1[%get3A_179] : memref<32xi32, #tpu.memory_space<smem>>
    %get3A_181 = arith.index_cast %get3A_180 : i32 to index
    %get3A_182 = memref.load %arg2[%get3A_181] : memref<1000xf32, #tpu.memory_space<smem>>
    %get3A_183 = arith.constant 5 : index
    %get3A_184 = arith.constant 0 : index
    %get3A_185 = arith.constant 0 : index
    %get3A_186 = arith.constant 0 : index
    %get3A_187 = vector.load %arg4[%get3A_183, %get3A_184, %get3A_185, %get3A_186] : memref<16x4x64x64xf32, #tpu.memory_space<vmem>>, vector<1x4x64x64xf32>
    %get3A_188 = vector.shape_cast %get3A_187 : vector<1x4x64x64xf32> to vector<4x64x64xf32>
    %mul3A_189 = vector.broadcast %get3A_182 : f32 to vector<4x64x64xf32>
    %mul3A_190 = arith.mulf %mul3A_189, %get3A_188 : vector<4x64x64xf32>
    %get3A_191 = arith.index_cast %get3A_180 : i32 to index
    %get3A_192 = memref.load %arg3[%get3A_191] : memref<1000xf32, #tpu.memory_space<smem>>
    %get3A_193 = arith.constant 5 : index
    %get3A_194 = arith.constant 0 : index
    %get3A_195 = arith.constant 0 : index
    %get3A_196 = arith.constant 0 : index
    %get3A_197 = vector.load %arg5[%get3A_193, %get3A_194, %get3A_195, %get3A_196] : memref<16x4x64x64xf32, #tpu.memory_space<vmem>>, vector<1x4x64x64xf32>
    %get3A_198 = vector.shape_cast %get3A_197 : vector<1x4x64x64xf32> to vector<4x64x64xf32>
    %mul3A_199 = vector.broadcast %get3A_192 : f32 to vector<4x64x64xf32>
    %mul3A_200 = arith.mulf %mul3A_199, %get3A_198 : vector<4x64x64xf32>
    %sub3A_201 = arith.subf %mul3A_190, %mul3A_200 : vector<4x64x64xf32>
    %swap3A_202 = arith.constant 5 : index
    %swap3A_203 = arith.constant 0 : index
    %swap3A_204 = arith.constant 0 : index
    %swap3A_205 = arith.constant 0 : index
    %swap3A_206 = vector.load %arg6[%swap3A_202, %swap3A_203, %swap3A_204, %swap3A_205] : memref<16x4x64x64xf32, #tpu.memory_space<vmem>>, vector<1x4x64x64xf32>
    %swap3A_207 = vector.shape_cast %swap3A_206 : vector<1x4x64x64xf32> to vector<4x64x64xf32>
    %swap3A_208 = vector.shape_cast %sub3A_201 : vector<4x64x64xf32> to vector<1x4x64x64xf32>
    tpu.vector_store %arg6[%swap3A_202, %swap3A_203, %swap3A_204, %swap3A_205], %swap3A_208 {strides = array<i32>} : memref<16x4x64x64xf32, #tpu.memory_space<vmem>>, vector<1x4x64x64xf32>,
    %mul3A_209 = arith.constant 16 : i32
    %mul3A_210 = arith.muli %arg0, %mul3A_209 : i32
    %add3A_211 = arith.constant 6 : i32
    %add3A_212 = arith.addi %mul3A_210, %add3A_211 : i32
    %get3A_213 = arith.index_cast %add3A_212 : i32 to index
    %get3A_214 = memref.load %arg1[%get3A_213] : memref<32xi32, #tpu.memory_space<smem>>
    %get3A_215 = arith.index_cast %get3A_214 : i32 to index
    %get3A_216 = memref.load %arg2[%get3A_215] : memref<1000xf32, #tpu.memory_space<smem>>
    %get3A_217 = arith.constant 6 : index
    %get3A_218 = arith.constant 0 : index
    %get3A_219 = arith.constant 0 : index
    %get3A_220 = arith.constant 0 : index
    %get3A_221 = vector.load %arg4[%get3A_217, %get3A_218, %get3A_219, %get3A_220] : memref<16x4x64x64xf32, #tpu.memory_space<vmem>>, vector<1x4x64x64xf32>
    %get3A_222 = vector.shape_cast %get3A_221 : vector<1x4x64x64xf32> to vector<4x64x64xf32>
    %mul3A_223 = vector.broadcast %get3A_216 : f32 to vector<4x64x64xf32>
    %mul3A_224 = arith.mulf %mul3A_223, %get3A_222 : vector<4x64x64xf32>
    %get3A_225 = arith.index_cast %get3A_214 : i32 to index
    %get3A_226 = memref.load %arg3[%get3A_225] : memref<1000xf32, #tpu.memory_space<smem>>
    %get3A_227 = arith.constant 6 : index
    %get3A_228 = arith.constant 0 : index
    %get3A_229 = arith.constant 0 : index
    %get3A_230 = arith.constant 0 : index
    %get3A_231 = vector.load %arg5[%get3A_227, %get3A_228, %get3A_229, %get3A_230] : memref<16x4x64x64xf32, #tpu.memory_space<vmem>>, vector<1x4x64x64xf32>
    %get3A_232 = vector.shape_cast %get3A_231 : vector<1x4x64x64xf32> to vector<4x64x64xf32>
    %mul3A_233 = vector.broadcast %get3A_226 : f32 to vector<4x64x64xf32>
    %mul3A_234 = arith.mulf %mul3A_233, %get3A_232 : vector<4x64x64xf32>
    %sub3A_235 = arith.subf %mul3A_224, %mul3A_234 : vector<4x64x64xf32>
    %swap3A_236 = arith.constant 6 : index
    %swap3A_237 = arith.constant 0 : index
    %swap3A_238 = arith.constant 0 : index
    %swap3A_239 = arith.constant 0 : index
    %swap3A_240 = vector.load %arg6[%swap3A_236, %swap3A_237, %swap3A_238, %swap3A_239] : memref<16x4x64x64xf32, #tpu.memory_space<vmem>>, vector<1x4x64x64xf32>
    %swap3A_241 = vector.shape_cast %swap3A_240 : vector<1x4x64x64xf32> to vector<4x64x64xf32>
    %swap3A_242 = vector.shape_cast %sub3A_235 : vector<4x64x64xf32> to vector<1x4x64x64xf32>
    tpu.vector_store %arg6[%swap3A_236, %swap3A_237, %swap3A_238, %swap3A_239], %swap3A_242 {strides = array<i32>} : memref<16x4x64x64xf32, #tpu.memory_space<vmem>>, vector<1x4x64x64xf32>,
    %mul3A_243 = arith.constant 16 : i32
    %mul3A_244 = arith.muli %arg0, %mul3A_243 : i32
    %add3A_245 = arith.constant 7 : i32
    %add3A_246 = arith.addi %mul3A_244, %add3A_245 : i32
    %get3A_247 = arith.index_cast %add3A_246 : i32 to index
    %get3A_248 = memref.load %arg1[%get3A_247] : memref<32xi32, #tpu.memory_space<smem>>
    %get3A_249 = arith.index_cast %get3A_248 : i32 to index
    %get3A_250 = memref.load %arg2[%get3A_249] : memref<1000xf32, #tpu.memory_space<smem>>
    %get3A_251 = arith.constant 7 : index
    %get3A_252 = arith.constant 0 : index
    %get3A_253 = arith.constant 0 : index
    %get3A_254 = arith.constant 0 : index
    %get3A_255 = vector.load %arg4[%get3A_251, %get3A_252, %get3A_253, %get3A_254] : memref<16x4x64x64xf32, #tpu.memory_space<vmem>>, vector<1x4x64x64xf32>
    %get3A_256 = vector.shape_cast %get3A_255 : vector<1x4x64x64xf32> to vector<4x64x64xf32>
    %mul3A_257 = vector.broadcast %get3A_250 : f32 to vector<4x64x64xf32>
    %mul3A_258 = arith.mulf %mul3A_257, %get3A_256 : vector<4x64x64xf32>
    %get3A_259 = arith.index_cast %get3A_248 : i32 to index
    %get3A_260 = memref.load %arg3[%get3A_259] : memref<1000xf32, #tpu.memory_space<smem>>
    %get3A_261 = arith.constant 7 : index
    %get3A_262 = arith.constant 0 : index
    %get3A_263 = arith.constant 0 : index
    %get3A_264 = arith.constant 0 : index
    %get3A_265 = vector.load %arg5[%get3A_261, %get3A_262, %get3A_263, %get3A_264] : memref<16x4x64x64xf32, #tpu.memory_space<vmem>>, vector<1x4x64x64xf32>
    %get3A_266 = vector.shape_cast %get3A_265 : vector<1x4x64x64xf32> to vector<4x64x64xf32>
    %mul3A_267 = vector.broadcast %get3A_260 : f32 to vector<4x64x64xf32>
    %mul3A_268 = arith.mulf %mul3A_267, %get3A_266 : vector<4x64x64xf32>
    %sub3A_269 = arith.subf %mul3A_258, %mul3A_268 : vector<4x64x64xf32>
    %swap3A_270 = arith.constant 7 : index
    %swap3A_271 = arith.constant 0 : index
    %swap3A_272 = arith.constant 0 : index
    %swap3A_273 = arith.constant 0 : index
    %swap3A_274 = vector.load %arg6[%swap3A_270, %swap3A_271, %swap3A_272, %swap3A_273] : memref<16x4x64x64xf32, #tpu.memory_space<vmem>>, vector<1x4x64x64xf32>
    %swap3A_275 = vector.shape_cast %swap3A_274 : vector<1x4x64x64xf32> to vector<4x64x64xf32>
    %swap3A_276 = vector.shape_cast %sub3A_269 : vector<4x64x64xf32> to vector<1x4x64x64xf32>
    tpu.vector_store %arg6[%swap3A_270, %swap3A_271, %swap3A_272, %swap3A_273], %swap3A_276 {strides = array<i32>} : memref<16x4x64x64xf32, #tpu.memory_space<vmem>>, vector<1x4x64x64xf32>,
    %mul3A_277 = arith.constant 16 : i32
    %mul3A_278 = arith.muli %arg0, %mul3A_277 : i32
    %add3A_279 = arith.constant 8 : i32
    %add3A_280 = arith.addi %mul3A_278, %add3A_279 : i32
    %get3A_281 = arith.index_cast %add3A_280 : i32 to index
    %get3A_282 = memref.load %arg1[%get3A_281] : memref<32xi32, #tpu.memory_space<smem>>
    %get3A_283 = arith.index_cast %get3A_282 : i32 to index
    %get3A_284 = memref.load %arg2[%get3A_283] : memref<1000xf32, #tpu.memory_space<smem>>
    %get3A_285 = arith.constant 8 : index
    %get3A_286 = arith.constant 0 : index
    %get3A_287 = arith.constant 0 : index
    %get3A_288 = arith.constant 0 : index
    %get3A_289 = vector.load %arg4[%get3A_285, %get3A_286, %get3A_287, %get3A_288] : memref<16x4x64x64xf32, #tpu.memory_space<vmem>>, vector<1x4x64x64xf32>
    %get3A_290 = vector.shape_cast %get3A_289 : vector<1x4x64x64xf32> to vector<4x64x64xf32>
    %mul3A_291 = vector.broadcast %get3A_284 : f32 to vector<4x64x64xf32>
    %mul3A_292 = arith.mulf %mul3A_291, %get3A_290 : vector<4x64x64xf32>
    %get3A_293 = arith.index_cast %get3A_282 : i32 to index
    %get3A_294 = memref.load %arg3[%get3A_293] : memref<1000xf32, #tpu.memory_space<smem>>
    %get3A_295 = arith.constant 8 : index
    %get3A_296 = arith.constant 0 : index
    %get3A_297 = arith.constant 0 : index
    %get3A_298 = arith.constant 0 : index
    %get3A_299 = vector.load %arg5[%get3A_295, %get3A_296, %get3A_297, %get3A_298] : memref<16x4x64x64xf32, #tpu.memory_space<vmem>>, vector<1x4x64x64xf32>
    %get3A_300 = vector.shape_cast %get3A_299 : vector<1x4x64x64xf32> to vector<4x64x64xf32>
    %mul3A_301 = vector.broadcast %get3A_294 : f32 to vector<4x64x64xf32>
    %mul3A_302 = arith.mulf %mul3A_301, %get3A_300 : vector<4x64x64xf32>
    %sub3A_303 = arith.subf %mul3A_292, %mul3A_302 : vector<4x64x64xf32>
    %swap3A_304 = arith.constant 8 : index
    %swap3A_305 = arith.constant 0 : index
    %swap3A_306 = arith.constant 0 : index
    %swap3A_307 = arith.constant 0 : index
    %swap3A_308 = vector.load %arg6[%swap3A_304, %swap3A_305, %swap3A_306, %swap3A_307] : memref<16x4x64x64xf32, #tpu.memory_space<vmem>>, vector<1x4x64x64xf32>
    %swap3A_309 = vector.shape_cast %swap3A_308 : vector<1x4x64x64xf32> to vector<4x64x64xf32>
    %swap3A_310 = vector.shape_cast %sub3A_303 : vector<4x64x64xf32> to vector<1x4x64x64xf32>
    tpu.vector_store %arg6[%swap3A_304, %swap3A_305, %swap3A_306, %swap3A_307], %swap3A_310 {strides = array<i32>} : memref<16x4x64x64xf32, #tpu.memory_space<vmem>>, vector<1x4x64x64xf32>,
    %mul3A_311 = arith.constant 16 : i32
    %mul3A_312 = arith.muli %arg0, %mul3A_311 : i32
    %add3A_313 = arith.constant 9 : i32
    %add3A_314 = arith.addi %mul3A_312, %add3A_313 : i32
    %get3A_315 = arith.index_cast %add3A_314 : i32 to index
    %get3A_316 = memref.load %arg1[%get3A_315] : memref<32xi32, #tpu.memory_space<smem>>
    %get3A_317 = arith.index_cast %get3A_316 : i32 to index
    %get3A_318 = memref.load %arg2[%get3A_317] : memref<1000xf32, #tpu.memory_space<smem>>
    %get3A_319 = arith.constant 9 : index
    %get3A_320 = arith.constant 0 : index
    %get3A_321 = arith.constant 0 : index
    %get3A_322 = arith.constant 0 : index
    %get3A_323 = vector.load %arg4[%get3A_319, %get3A_320, %get3A_321, %get3A_322] : memref<16x4x64x64xf32, #tpu.memory_space<vmem>>, vector<1x4x64x64xf32>
    %get3A_324 = vector.shape_cast %get3A_323 : vector<1x4x64x64xf32> to vector<4x64x64xf32>
    %mul3A_325 = vector.broadcast %get3A_318 : f32 to vector<4x64x64xf32>
    %mul3A_326 = arith.mulf %mul3A_325, %get3A_324 : vector<4x64x64xf32>
    %get3A_327 = arith.index_cast %get3A_316 : i32 to index
    %get3A_328 = memref.load %arg3[%get3A_327] : memref<1000xf32, #tpu.memory_space<smem>>
    %get3A_329 = arith.constant 9 : index
    %get3A_330 = arith.constant 0 : index
    %get3A_331 = arith.constant 0 : index
    %get3A_332 = arith.constant 0 : index
    %get3A_333 = vector.load %arg5[%get3A_329, %get3A_330, %get3A_331, %get3A_332] : memref<16x4x64x64xf32, #tpu.memory_space<vmem>>, vector<1x4x64x64xf32>
    %get3A_334 = vector.shape_cast %get3A_333 : vector<1x4x64x64xf32> to vector<4x64x64xf32>
    %mul3A_335 = vector.broadcast %get3A_328 : f32 to vector<4x64x64xf32>
    %mul3A_336 = arith.mulf %mul3A_335, %get3A_334 : vector<4x64x64xf32>
    %sub3A_337 = arith.subf %mul3A_326, %mul3A_336 : vector<4x64x64xf32>
    %swap3A_338 = arith.constant 9 : index
    %swap3A_339 = arith.constant 0 : index
    %swap3A_340 = arith.constant 0 : index
    %swap3A_341 = arith.constant 0 : index
    %swap3A_342 = vector.load %arg6[%swap3A_338, %swap3A_339, %swap3A_340, %swap3A_341] : memref<16x4x64x64xf32, #tpu.memory_space<vmem>>, vector<1x4x64x64xf32>
    %swap3A_343 = vector.shape_cast %swap3A_342 : vector<1x4x64x64xf32> to vector<4x64x64xf32>
    %swap3A_344 = vector.shape_cast %sub3A_337 : vector<4x64x64xf32> to vector<1x4x64x64xf32>
    tpu.vector_store %arg6[%swap3A_338, %swap3A_339, %swap3A_340, %swap3A_341], %swap3A_344 {strides = array<i32>} : memref<16x4x64x64xf32, #tpu.memory_space<vmem>>, vector<1x4x64x64xf32>,
    %mul3A_345 = arith.constant 16 : i32
    %mul3A_346 = arith.muli %arg0, %mul3A_345 : i32
    %add3A_347 = arith.constant 10 : i32
    %add3A_348 = arith.addi %mul3A_346, %add3A_347 : i32
    %get3A_349 = arith.index_cast %add3A_348 : i32 to index
    %get3A_350 = memref.load %arg1[%get3A_349] : memref<32xi32, #tpu.memory_space<smem>>
    %get3A_351 = arith.index_cast %get3A_350 : i32 to index
    %get3A_352 = memref.load %arg2[%get3A_351] : memref<1000xf32, #tpu.memory_space<smem>>
    %get3A_353 = arith.constant 10 : index
    %get3A_354 = arith.constant 0 : index
    %get3A_355 = arith.constant 0 : index
    %get3A_356 = arith.constant 0 : index
    %get3A_357 = vector.load %arg4[%get3A_353, %get3A_354, %get3A_355, %get3A_356] : memref<16x4x64x64xf32, #tpu.memory_space<vmem>>, vector<1x4x64x64xf32>
    %get3A_358 = vector.shape_cast %get3A_357 : vector<1x4x64x64xf32> to vector<4x64x64xf32>
    %mul3A_359 = vector.broadcast %get3A_352 : f32 to vector<4x64x64xf32>
    %mul3A_360 = arith.mulf %mul3A_359, %get3A_358 : vector<4x64x64xf32>
    %get3A_361 = arith.index_cast %get3A_350 : i32 to index
    %get3A_362 = memref.load %arg3[%get3A_361] : memref<1000xf32, #tpu.memory_space<smem>>
    %get3A_363 = arith.constant 10 : index
    %get3A_364 = arith.constant 0 : index
    %get3A_365 = arith.constant 0 : index
    %get3A_366 = arith.constant 0 : index
    %get3A_367 = vector.load %arg5[%get3A_363, %get3A_364, %get3A_365, %get3A_366] : memref<16x4x64x64xf32, #tpu.memory_space<vmem>>, vector<1x4x64x64xf32>
    %get3A_368 = vector.shape_cast %get3A_367 : vector<1x4x64x64xf32> to vector<4x64x64xf32>
    %mul3A_369 = vector.broadcast %get3A_362 : f32 to vector<4x64x64xf32>
    %mul3A_370 = arith.mulf %mul3A_369, %get3A_368 : vector<4x64x64xf32>
    %sub3A_371 = arith.subf %mul3A_360, %mul3A_370 : vector<4x64x64xf32>
    %swap3A_372 = arith.constant 10 : index
    %swap3A_373 = arith.constant 0 : index
    %swap3A_374 = arith.constant 0 : index
    %swap3A_375 = arith.constant 0 : index
    %swap3A_376 = vector.load %arg6[%swap3A_372, %swap3A_373, %swap3A_374, %swap3A_375] : memref<16x4x64x64xf32, #tpu.memory_space<vmem>>, vector<1x4x64x64xf32>
    %swap3A_377 = vector.shape_cast %swap3A_376 : vector<1x4x64x64xf32> to vector<4x64x64xf32>
    %swap3A_378 = vector.shape_cast %sub3A_371 : vector<4x64x64xf32> to vector<1x4x64x64xf32>
    tpu.vector_store %arg6[%swap3A_372, %swap3A_373, %swap3A_374, %swap3A_375], %swap3A_378 {strides = array<i32>} : memref<16x4x64x64xf32, #tpu.memory_space<vmem>>, vector<1x4x64x64xf32>,
    %mul3A_379 = arith.constant 16 : i32
    %mul3A_380 = arith.muli %arg0, %mul3A_379 : i32
    %add3A_381 = arith.constant 11 : i32
    %add3A_382 = arith.addi %mul3A_380, %add3A_381 : i32
    %get3A_383 = arith.index_cast %add3A_382 : i32 to index
    %get3A_384 = memref.load %arg1[%get3A_383] : memref<32xi32, #tpu.memory_space<smem>>
    %get3A_385 = arith.index_cast %get3A_384 : i32 to index
    %get3A_386 = memref.load %arg2[%get3A_385] : memref<1000xf32, #tpu.memory_space<smem>>
    %get3A_387 = arith.constant 11 : index
    %get3A_388 = arith.constant 0 : index
    %get3A_389 = arith.constant 0 : index
    %get3A_390 = arith.constant 0 : index
    %get3A_391 = vector.load %arg4[%get3A_387, %get3A_388, %get3A_389, %get3A_390] : memref<16x4x64x64xf32, #tpu.memory_space<vmem>>, vector<1x4x64x64xf32>
    %get3A_392 = vector.shape_cast %get3A_391 : vector<1x4x64x64xf32> to vector<4x64x64xf32>
    %mul3A_393 = vector.broadcast %get3A_386 : f32 to vector<4x64x64xf32>
    %mul3A_394 = arith.mulf %mul3A_393, %get3A_392 : vector<4x64x64xf32>
    %get3A_395 = arith.index_cast %get3A_384 : i32 to index
    %get3A_396 = memref.load %arg3[%get3A_395] : memref<1000xf32, #tpu.memory_space<smem>>
    %get3A_397 = arith.constant 11 : index
    %get3A_398 = arith.constant 0 : index
    %get3A_399 = arith.constant 0 : index
    %get3A_400 = arith.constant 0 : index
    %get3A_401 = vector.load %arg5[%get3A_397, %get3A_398, %get3A_399, %get3A_400] : memref<16x4x64x64xf32, #tpu.memory_space<vmem>>, vector<1x4x64x64xf32>
    %get3A_402 = vector.shape_cast %get3A_401 : vector<1x4x64x64xf32> to vector<4x64x64xf32>
    %mul3A_403 = vector.broadcast %get3A_396 : f32 to vector<4x64x64xf32>
    %mul3A_404 = arith.mulf %mul3A_403, %get3A_402 : vector<4x64x64xf32>
    %sub3A_405 = arith.subf %mul3A_394, %mul3A_404 : vector<4x64x64xf32>
    %swap3A_406 = arith.constant 11 : index
    %swap3A_407 = arith.constant 0 : index
    %swap3A_408 = arith.constant 0 : index
    %swap3A_409 = arith.constant 0 : index
    %swap3A_410 = vector.load %arg6[%swap3A_406, %swap3A_407, %swap3A_408, %swap3A_409] : memref<16x4x64x64xf32, #tpu.memory_space<vmem>>, vector<1x4x64x64xf32>
    %swap3A_411 = vector.shape_cast %swap3A_410 : vector<1x4x64x64xf32> to vector<4x64x64xf32>
    %swap3A_412 = vector.shape_cast %sub3A_405 : vector<4x64x64xf32> to vector<1x4x64x64xf32>
    tpu.vector_store %arg6[%swap3A_406, %swap3A_407, %swap3A_408, %swap3A_409], %swap3A_412 {strides = array<i32>} : memref<16x4x64x64xf32, #tpu.memory_space<vmem>>, vector<1x4x64x64xf32>,
    %mul3A_413 = arith.constant 16 : i32
    %mul3A_414 = arith.muli %arg0, %mul3A_413 : i32
    %add3A_415 = arith.constant 12 : i32
    %add3A_416 = arith.addi %mul3A_414, %add3A_415 : i32
    %get3A_417 = arith.index_cast %add3A_416 : i32 to index
    %get3A_418 = memref.load %arg1[%get3A_417] : memref<32xi32, #tpu.memory_space<smem>>
    %get3A_419 = arith.index_cast %get3A_418 : i32 to index
    %get3A_420 = memref.load %arg2[%get3A_419] : memref<1000xf32, #tpu.memory_space<smem>>
    %get3A_421 = arith.constant 12 : index
    %get3A_422 = arith.constant 0 : index
    %get3A_423 = arith.constant 0 : index
    %get3A_424 = arith.constant 0 : index
    %get3A_425 = vector.load %arg4[%get3A_421, %get3A_422, %get3A_423, %get3A_424] : memref<16x4x64x64xf32, #tpu.memory_space<vmem>>, vector<1x4x64x64xf32>
    %get3A_426 = vector.shape_cast %get3A_425 : vector<1x4x64x64xf32> to vector<4x64x64xf32>
    %mul3A_427 = vector.broadcast %get3A_420 : f32 to vector<4x64x64xf32>
    %mul3A_428 = arith.mulf %mul3A_427, %get3A_426 : vector<4x64x64xf32>
    %get3A_429 = arith.index_cast %get3A_418 : i32 to index
    %get3A_430 = memref.load %arg3[%get3A_429] : memref<1000xf32, #tpu.memory_space<smem>>
    %get3A_431 = arith.constant 12 : index
    %get3A_432 = arith.constant 0 : index
    %get3A_433 = arith.constant 0 : index
    %get3A_434 = arith.constant 0 : index
    %get3A_435 = vector.load %arg5[%get3A_431, %get3A_432, %get3A_433, %get3A_434] : memref<16x4x64x64xf32, #tpu.memory_space<vmem>>, vector<1x4x64x64xf32>
    %get3A_436 = vector.shape_cast %get3A_435 : vector<1x4x64x64xf32> to vector<4x64x64xf32>
    %mul3A_437 = vector.broadcast %get3A_430 : f32 to vector<4x64x64xf32>
    %mul3A_438 = arith.mulf %mul3A_437, %get3A_436 : vector<4x64x64xf32>
    %sub3A_439 = arith.subf %mul3A_428, %mul3A_438 : vector<4x64x64xf32>
    %swap3A_440 = arith.constant 12 : index
    %swap3A_441 = arith.constant 0 : index
    %swap3A_442 = arith.constant 0 : index
    %swap3A_443 = arith.constant 0 : index
    %swap3A_444 = vector.load %arg6[%swap3A_440, %swap3A_441, %swap3A_442, %swap3A_443] : memref<16x4x64x64xf32, #tpu.memory_space<vmem>>, vector<1x4x64x64xf32>
    %swap3A_445 = vector.shape_cast %swap3A_444 : vector<1x4x64x64xf32> to vector<4x64x64xf32>
    %swap3A_446 = vector.shape_cast %sub3A_439 : vector<4x64x64xf32> to vector<1x4x64x64xf32>
    tpu.vector_store %arg6[%swap3A_440, %swap3A_441, %swap3A_442, %swap3A_443], %swap3A_446 {strides = array<i32>} : memref<16x4x64x64xf32, #tpu.memory_space<vmem>>, vector<1x4x64x64xf32>,
    %mul3A_447 = arith.constant 16 : i32
    %mul3A_448 = arith.muli %arg0, %mul3A_447 : i32
    %add3A_449 = arith.constant 13 : i32
    %add3A_450 = arith.addi %mul3A_448, %add3A_449 : i32
    %get3A_451 = arith.index_cast %add3A_450 : i32 to index
    %get3A_452 = memref.load %arg1[%get3A_451] : memref<32xi32, #tpu.memory_space<smem>>
    %get3A_453 = arith.index_cast %get3A_452 : i32 to index
    %get3A_454 = memref.load %arg2[%get3A_453] : memref<1000xf32, #tpu.memory_space<smem>>
    %get3A_455 = arith.constant 13 : index
    %get3A_456 = arith.constant 0 : index
    %get3A_457 = arith.constant 0 : index
    %get3A_458 = arith.constant 0 : index
    %get3A_459 = vector.load %arg4[%get3A_455, %get3A_456, %get3A_457, %get3A_458] : memref<16x4x64x64xf32, #tpu.memory_space<vmem>>, vector<1x4x64x64xf32>
    %get3A_460 = vector.shape_cast %get3A_459 : vector<1x4x64x64xf32> to vector<4x64x64xf32>
    %mul3A_461 = vector.broadcast %get3A_454 : f32 to vector<4x64x64xf32>
    %mul3A_462 = arith.mulf %mul3A_461, %get3A_460 : vector<4x64x64xf32>
    %get3A_463 = arith.index_cast %get3A_452 : i32 to index
    %get3A_464 = memref.load %arg3[%get3A_463] : memref<1000xf32, #tpu.memory_space<smem>>
    %get3A_465 = arith.constant 13 : index
    %get3A_466 = arith.constant 0 : index
    %get3A_467 = arith.constant 0 : index
    %get3A_468 = arith.constant 0 : index
    %get3A_469 = vector.load %arg5[%get3A_465, %get3A_466, %get3A_467, %get3A_468] : memref<16x4x64x64xf32, #tpu.memory_space<vmem>>, vector<1x4x64x64xf32>
    %get3A_470 = vector.shape_cast %get3A_469 : vector<1x4x64x64xf32> to vector<4x64x64xf32>
    %mul3A_471 = vector.broadcast %get3A_464 : f32 to vector<4x64x64xf32>
    %mul3A_472 = arith.mulf %mul3A_471, %get3A_470 : vector<4x64x64xf32>
    %sub3A_473 = arith.subf %mul3A_462, %mul3A_472 : vector<4x64x64xf32>
    %swap3A_474 = arith.constant 13 : index
    %swap3A_475 = arith.constant 0 : index
    %swap3A_476 = arith.constant 0 : index
    %swap3A_477 = arith.constant 0 : index
    %swap3A_478 = vector.load %arg6[%swap3A_474, %swap3A_475, %swap3A_476, %swap3A_477] : memref<16x4x64x64xf32, #tpu.memory_space<vmem>>, vector<1x4x64x64xf32>
    %swap3A_479 = vector.shape_cast %swap3A_478 : vector<1x4x64x64xf32> to vector<4x64x64xf32>
    %swap3A_480 = vector.shape_cast %sub3A_473 : vector<4x64x64xf32> to vector<1x4x64x64xf32>
    tpu.vector_store %arg6[%swap3A_474, %swap3A_475, %swap3A_476, %swap3A_477], %swap3A_480 {strides = array<i32>} : memref<16x4x64x64xf32, #tpu.memory_space<vmem>>, vector<1x4x64x64xf32>,
    %mul3A_481 = arith.constant 16 : i32
    %mul3A_482 = arith.muli %arg0, %mul3A_481 : i32
    %add3A_483 = arith.constant 14 : i32
    %add3A_484 = arith.addi %mul3A_482, %add3A_483 : i32
    %get3A_485 = arith.index_cast %add3A_484 : i32 to index
    %get3A_486 = memref.load %arg1[%get3A_485] : memref<32xi32, #tpu.memory_space<smem>>
    %get3A_487 = arith.index_cast %get3A_486 : i32 to index
    %get3A_488 = memref.load %arg2[%get3A_487] : memref<1000xf32, #tpu.memory_space<smem>>
    %get3A_489 = arith.constant 14 : index
    %get3A_490 = arith.constant 0 : index
    %get3A_491 = arith.constant 0 : index
    %get3A_492 = arith.constant 0 : index
    %get3A_493 = vector.load %arg4[%get3A_489, %get3A_490, %get3A_491, %get3A_492] : memref<16x4x64x64xf32, #tpu.memory_space<vmem>>, vector<1x4x64x64xf32>
    %get3A_494 = vector.shape_cast %get3A_493 : vector<1x4x64x64xf32> to vector<4x64x64xf32>
    %mul3A_495 = vector.broadcast %get3A_488 : f32 to vector<4x64x64xf32>
    %mul3A_496 = arith.mulf %mul3A_495, %get3A_494 : vector<4x64x64xf32>
    %get3A_497 = arith.index_cast %get3A_486 : i32 to index
    %get3A_498 = memref.load %arg3[%get3A_497] : memref<1000xf32, #tpu.memory_space<smem>>
    %get3A_499 = arith.constant 14 : index
    %get3A_500 = arith.constant 0 : index
    %get3A_501 = arith.constant 0 : index
    %get3A_502 = arith.constant 0 : index
    %get3A_503 = vector.load %arg5[%get3A_499, %get3A_500, %get3A_501, %get3A_502] : memref<16x4x64x64xf32, #tpu.memory_space<vmem>>, vector<1x4x64x64xf32>
    %get3A_504 = vector.shape_cast %get3A_503 : vector<1x4x64x64xf32> to vector<4x64x64xf32>
    %mul3A_505 = vector.broadcast %get3A_498 : f32 to vector<4x64x64xf32>
    %mul3A_506 = arith.mulf %mul3A_505, %get3A_504 : vector<4x64x64xf32>
    %sub3A_507 = arith.subf %mul3A_496, %mul3A_506 : vector<4x64x64xf32>
    %swap3A_508 = arith.constant 14 : index
    %swap3A_509 = arith.constant 0 : index
    %swap3A_510 = arith.constant 0 : index
    %swap3A_511 = arith.constant 0 : index
    %swap3A_512 = vector.load %arg6[%swap3A_508, %swap3A_509, %swap3A_510, %swap3A_511] : memref<16x4x64x64xf32, #tpu.memory_space<vmem>>, vector<1x4x64x64xf32>
    %swap3A_513 = vector.shape_cast %swap3A_512 : vector<1x4x64x64xf32> to vector<4x64x64xf32>
    %swap3A_514 = vector.shape_cast %sub3A_507 : vector<4x64x64xf32> to vector<1x4x64x64xf32>
    tpu.vector_store %arg6[%swap3A_508, %swap3A_509, %swap3A_510, %swap3A_511], %swap3A_514 {strides = array<i32>} : memref<16x4x64x64xf32, #tpu.memory_space<vmem>>, vector<1x4x64x64xf32>,
    %mul3A_515 = arith.constant 16 : i32
    %mul3A_516 = arith.muli %arg0, %mul3A_515 : i32
    %add3A_517 = arith.constant 15 : i32
    %add3A_518 = arith.addi %mul3A_516, %add3A_517 : i32
    %get3A_519 = arith.index_cast %add3A_518 : i32 to index
    %get3A_520 = memref.load %arg1[%get3A_519] : memref<32xi32, #tpu.memory_space<smem>>
    %get3A_521 = arith.index_cast %get3A_520 : i32 to index
    %get3A_522 = memref.load %arg2[%get3A_521] : memref<1000xf32, #tpu.memory_space<smem>>
    %get3A_523 = arith.constant 15 : index
    %get3A_524 = arith.constant 0 : index
    %get3A_525 = arith.constant 0 : index
    %get3A_526 = arith.constant 0 : index
    %get3A_527 = vector.load %arg4[%get3A_523, %get3A_524, %get3A_525, %get3A_526] : memref<16x4x64x64xf32, #tpu.memory_space<vmem>>, vector<1x4x64x64xf32>
    %get3A_528 = vector.shape_cast %get3A_527 : vector<1x4x64x64xf32> to vector<4x64x64xf32>
    %mul3A_529 = vector.broadcast %get3A_522 : f32 to vector<4x64x64xf32>
    %mul3A_530 = arith.mulf %mul3A_529, %get3A_528 : vector<4x64x64xf32>
    %get3A_531 = arith.index_cast %get3A_520 : i32 to index
    %get3A_532 = memref.load %arg3[%get3A_531] : memref<1000xf32, #tpu.memory_space<smem>>
    %get3A_533 = arith.constant 15 : index
    %get3A_534 = arith.constant 0 : index
    %get3A_535 = arith.constant 0 : index
    %get3A_536 = arith.constant 0 : index
    %get3A_537 = vector.load %arg5[%get3A_533, %get3A_534, %get3A_535, %get3A_536] : memref<16x4x64x64xf32, #tpu.memory_space<vmem>>, vector<1x4x64x64xf32>
    %get3A_538 = vector.shape_cast %get3A_537 : vector<1x4x64x64xf32> to vector<4x64x64xf32>
    %mul3A_539 = vector.broadcast %get3A_532 : f32 to vector<4x64x64xf32>
    %mul3A_540 = arith.mulf %mul3A_539, %get3A_538 : vector<4x64x64xf32>
    %sub3A_541 = arith.subf %mul3A_530, %mul3A_540 : vector<4x64x64xf32>
    %swap3A_542 = arith.constant 15 : index
    %swap3A_543 = arith.constant 0 : index
    %swap3A_544 = arith.constant 0 : index
    %swap3A_545 = arith.constant 0 : index
    %swap3A_546 = vector.load %arg6[%swap3A_542, %swap3A_543, %swap3A_544, %swap3A_545] : memref<16x4x64x64xf32, #tpu.memory_space<vmem>>, vector<1x4x64x64xf32>
    %swap3A_547 = vector.shape_cast %swap3A_546 : vector<1x4x64x64xf32> to vector<4x64x64xf32>
    %swap3A_548 = vector.shape_cast %sub3A_541 : vector<4x64x64xf32> to vector<1x4x64x64xf32>
    tpu.vector_store %arg6[%swap3A_542, %swap3A_543, %swap3A_544, %swap3A_545], %swap3A_548 {strides = array<i32>} : memref<16x4x64x64xf32, #tpu.memory_space<vmem>>, vector<1x4x64x64xf32>,
    return
  }
  func.func @transform_0(%arg0: i32, %arg1: memref<32xi32, #tpu.memory_space<smem>>, %arg2: memref<1000xf32, #tpu.memory_space<smem>>, %arg3: memref<1000xf32, #tpu.memory_space<smem>>) -> (i32, i32, i32, i32) {
    %c0_i32 = arith.constant 0 : i32
    %c0_i32_0 = arith.constant 0 : i32
    %c0_i32_1 = arith.constant 0 : i32
    %c0_i32_2 = arith.constant 0 : i32
    return %arg0, %c0_i32, %c0_i32_0, %c0_i32_1 : i32, i32, i32, i32
  }
  func.func @transform_1(%arg0: i32, %arg1: memref<32xi32, #tpu.memory_space<smem>>, %arg2: memref<1000xf32, #tpu.memory_space<smem>>, %arg3: memref<1000xf32, #tpu.memory_space<smem>>) -> (i32, i32, i32, i32) {
    %c0_i32 = arith.constant 0 : i32
    %c0_i32_0 = arith.constant 0 : i32
    %c0_i32_1 = arith.constant 0 : i32
    %c0_i32_2 = arith.constant 0 : i32
    return %arg0, %c0_i32, %c0_i32_0, %c0_i32_1 : i32, i32, i32, i32
  }
  func.func @transform_2(%arg0: i32, %arg1: memref<32xi32, #tpu.memory_space<smem>>, %arg2: memref<1000xf32, #tpu.memory_space<smem>>, %arg3: memref<1000xf32, #tpu.memory_space<smem>>) -> (i32, i32, i32, i32) {
    %c0_i32 = arith.constant 0 : i32
    %c0_i32_0 = arith.constant 0 : i32
    %c0_i32_1 = arith.constant 0 : i32
    %c0_i32_2 = arith.constant 0 : i32
    return %arg0, %c0_i32, %c0_i32_0, %c0_i32_1 : i32, i32, i32, i32
  }
  func.func @transform_3(%arg0: i32, %arg1: memref<32xi32, #tpu.memory_space<smem>>, %arg2: memref<1000xf32, #tpu.memory_space<smem>>, %arg3: memref<1000xf32, #tpu.memory_space<smem>>) -> (i32, i32, i32, i32) {
    %c0_i32 = arith.constant 0 : i32
    %c0_i32_0 = arith.constant 0 : i32
    %c0_i32_1 = arith.constant 0 : i32
    %c0_i32_2 = arith.constant 0 : i32
    return %arg0, %c0_i32, %c0_i32_0, %c0_i32_1 : i32, i32, i32, i32
  }
}

</mosaic_0001>

<sc_bundles>
// kernel: kernel.4.cloned.1.call-start
scs
__scs_entry_jumppad:
0x0: {  	(pc) =	sbr.rel $0x88, $3  }
0x1: {  	(tag) =	ssettag $0x0;
	lr =	simm.s32 $0x1  }
0x2: {  	[smem:$0x3F9B] =	sst lr;
	_ =	strace $0xD0000000  }
0x3: {  	_ = 	snop  }
0x4: {  	_ = 	snop  }
0x5: {  	_ = 	snop  }
0x6: {  	_ = 	snop  }
0x7: {  	_ = 	snop  }
__scs_overlays_trampoline_lowered:
0x8: {  	[smem:$0x3FAA] =	sst s0  }
0x9: {  	[smem:$0x3FAB] =	sst s1  }
0xa: {  	[smem:$0x3FAC] =	sst s2  }
0xb: {  	[smem:$0x3FAD] =	sst s3  }
0xc: {  	[smem:$0x3FAE] =	sst s4  }
0xd: {  	[smem:$0x3FAF] =	sst s5  }
0xe: {  	[smem:$0x3FB0] =	sst s6  }
0xf: {  	[smem:$0x3FB1] =	sst s7  }
0x10: {  	[smem:$0x3FB2] =	sst s8  }
0x11: {  	[smem:$0x3FB3] =	sst s9;
	s0 =	simm.s32 @!p0 $0x0  }
0x12: {  	s1 =	sld [smem:$0x3F99];
	s0 =	simm.s32 @p0 $0x1  }
0x13: {  	[smem:$0x3FB4] =	sst s0;
	s0 =	simm.s32 @!p1 $0x0  }
0x14: {  	s2 =	sld [smem:$0x3F98];
	s0 =	simm.s32 @p1 $0x1  }
0x15: {  	[smem:$0x3FB5] =	sst s0;
	s0 =	simm.s32 @!p2 $0x0  }
0x16: {  	s3 =	sld [smem:$0x3FDB];
	s0 =	simm.s32 @p2 $0x1  }
0x17: {  	s4 =	simm.s32 $0x1BF5;
	[smem:$0x3FB7] =	sst s0  }
0x18: {  	s0 =	sld [smem:$0x3F9A];
	_ =	swait.ge [sflag:s4], $0x0  }
0x19: {  	s7 =	sld [smem:$0x3F9B]  }
0x1a: {  	s8 =	sadd.s32 $0xFFFFE003, lr  }
0x1b: {  	s9 =	sadd.s32 $0xFFFFFEF7, lr;
	s5 =	simm.s32 $0xFFFFFFFF;
	p2 =	slt.u32 s8, $0xFFFFF086  }
0x1c: {  	p1 =	slt.u32 s9, $0xF7A;
	s5 =	simm.s32 @!p2 $0x0  }
0x1d: {  	s5 =	simm.s32 @p1 $0x1;
	p0 =	seq.s32 s7, s2  }
0x1e: {  	s7 =	smul.u32 @!p0 $0xF7A, s2;
	p2 =	seq.s32 @!p0 s5, $0x0  }
0x1f: {  	s9 =	smul.u32 $0xF7A, s1;
	s8 =	simm.s32 @!p0 $0x1BF5;
	p2 =	por !p2, p0  }
0x20: {  	[sflag:s8] =	ssyncset.s32 @!p0 $0xFFFFF086;
	s6 =	sadd.s32 @!p0 s3, s7;
	s7 =	simm.s32 @!p0 $0x108  }
0x21: {  	s3 =	sadd.s32 s3, s9;
	s6 =	sadd.s32 @!p0 $0x88, s6;
	s7 =	simm.s32 @p2 $0x1082  }
0x22: {  	[simem:s7], [sflag:s8] =	dma.local @!p0 [hbm:s6], $0xF7A  }
0x23: {  	s9 =	sor.u32 $0xD0000000, s2;
	s6 =	simm.s32 $0x108;
	_ =	swait.ge @!p0 [sflag:s8], $0x0  }
0x24: {  	s3 =	sadd.s32 $0x88, s3;
	s6 =	simm.s32 @!p1 $0x1082;
	[sflag:s4] =	ssyncset.s32 $0xFFFFF086  }
0x25: {  	[simem:s6], [sflag:s4] =	dma.local [hbm:s3], $0xF7A  }
0x26: {  	[smem:$0x3F9B] =	sst s1;
	(tag) =	ssettag s2;
	_ =	strace s9  }
0x27: {  	s1 =	sld [smem:$0x3FAB]  }
0x28: {  	s2 =	sld [smem:$0x3FAC]  }
0x29: {  	s4 =	sld [smem:$0x3FAE]  }
0x2a: {  	p0 =	seq.s32 s5, $0x0;
	s5 =	sld [smem:$0x3FAF]  }
0x2b: {  	s6 =	sld [smem:$0x3FB0]  }
0x2c: {  	s7 =	sld [smem:$0x3FB1]  }
0x2d: {  	s3 =	simm.s32 $0x108;
	s8 =	sld [smem:$0x3FB2]  }
0x2e: {  	s3 =	simm.s32 @!p0 $0x1082;
	s9 =	sld [smem:$0x3FB3]  }
0x2f: {  	lr =	sadd.s32 s0, s3;
	s0 =	sld [smem:$0x3FAA]  }
0x30: {  	s3 =	sld [smem:$0x3FAD]  }
0x31: {  	[smem:$0x3FB6] =	sst s10  }
0x32: {  	s10 =	sld [smem:$0x3FB4];
	_ =	sdelay $0x3  }
0x33: {  	p0 =	seq.s32 s10, $0x1;
	s10 =	sld [smem:$0x3FB6];
	_ =	sdelay $0x3  }
0x34: {  	[smem:$0x3FB6] =	sst s10  }
0x35: {  	s10 =	sld [smem:$0x3FB5];
	_ =	sdelay $0x3  }
0x36: {  	p1 =	seq.s32 s10, $0x1;
	s10 =	sld [smem:$0x3FB6];
	_ =	sdelay $0x3  }
0x37: {  	[smem:$0x3FB6] =	sst s10  }
0x38: {  	s10 =	sld [smem:$0x3FB7]  }
0x39: {  	_ = 	snop;
	(pc) =	sbr.ind lr, $3  }
0x3a: {  	_ = 	snop  }
0x3b: {  	_ = 	snop  }
0x3c: {  	p2 =	seq.s32 s10, $0x1;
	s10 =	sld [smem:$0x3FB6]  }
0x3d: {  	_ =	shalt  }
0x3e: {  	_ =	shalt  }
0x3f: {  	_ =	shalt  }
0x40: {  	_ =	shalt  }
0x41: {  	_ =	shalt  }
0x42: {  	_ =	shalt  }
0x43: {  	_ =	shalt  }
0x44: {  	_ =	shalt  }
0x45: {  	_ =	shalt  }
0x46: {  	_ =	shalt  }
0x47: {  	_ =	shalt  }
0x48: {  	_ =	shalt  }
0x49: {  	_ =	shalt  }
0x4a: {  	_ =	shalt  }
0x4b: {  	_ =	shalt  }
0x4c: {  	_ =	shalt  }
0x4d: {  	_ =	shalt  }
0x4e: {  	_ =	shalt  }
0x4f: {  	_ =	shalt  }
0x50: {  	_ =	shalt  }
0x51: {  	_ =	shalt  }
0x52: {  	_ =	shalt  }
0x53: {  	_ =	shalt  }
0x54: {  	_ =	shalt  }
0x55: {  	_ =	shalt  }
0x56: {  	_ =	shalt  }
0x57: {  	_ =	shalt  }
0x58: {  	_ =	shalt  }
0x59: {  	_ =	shalt  }
0x5a: {  	_ =	shalt  }
0x5b: {  	_ =	shalt  }
0x5c: {  	_ =	shalt  }
0x5d: {  	_ =	shalt  }
0x5e: {  	_ =	shalt  }
0x5f: {  	_ =	shalt  }
0x60: {  	_ =	shalt  }
0x61: {  	_ =	shalt  }
0x62: {  	_ =	shalt  }
0x63: {  	_ =	shalt  }
0x64: {  	_ =	shalt  }
0x65: {  	_ =	shalt  }
0x66: {  	_ =	shalt  }
0x67: {  	_ =	shalt  }
0x68: {  	_ =	shalt  }
0x69: {  	_ =	shalt  }
0x6a: {  	_ =	shalt  }
0x6b: {  	_ =	shalt  }
0x6c: {  	_ =	shalt  }
0x6d: {  	_ =	shalt  }
0x6e: {  	_ =	shalt  }
0x6f: {  	_ =	shalt  }
0x70: {  	_ =	shalt  }
0x71: {  	_ =	shalt  }
0x72: {  	_ =	shalt  }
0x73: {  	_ =	shalt  }
0x74: {  	_ =	shalt  }
0x75: {  	_ =	shalt  }
0x76: {  	_ =	shalt  }
0x77: {  	_ =	shalt  }
0x78: {  	_ =	shalt  }
0x79: {  	_ =	shalt  }
0x7a: {  	_ =	shalt  }
0x7b: {  	_ =	shalt  }
0x7c: {  	_ =	shalt  }
0x7d: {  	_ =	shalt  }
0x7e: {  	_ =	shalt  }
0x7f: {  	_ =	shalt  }
0x80: {  	_ =	shalt  }
0x81: {  	_ =	shalt  }
0x82: {  	_ =	shalt  }
0x83: {  	_ =	shalt  }
0x84: {  	_ =	shalt  }
0x85: {  	_ =	shalt  }
0x86: {  	_ =	shalt  }
0x87: {  	_ =	shalt  }
.Lfunc_end0:
.L_simem_size_0:
called_computation_lowered:
.L_overlay_start_0:
0x88: {  	s2 =	sld [smem:$0x3FD9]  }
0x89: {  	s3 =	sld [smem:$0x3FFE];
	_ =	sdelay $0x1  }
0x8a: {  	s1 =	srdreg.scid  }
0x8b: {  	s0 =	sand.u32 $0x1, s1  }
0x8c: {  	s15 =	sshll.u32 s0, $0xA;
	s2 =	sadd.s32 s3, s2  }
0x8d: {  	s2 =	sadd.s32 s2, s15  }
0x8e: {  	[smem:$0x3FC2] =	sst s2  }
0x8f: {  	_ = 	snop  }
0x90: {  	s2 =	sld [smem:$0x3FD0];
	_ =	sdelay $0x2  }
0x91: {  	s4 =	simm.s32 $0xA;
	s5 =	simm.s32 $0x10;
	s16 =	sld [smem:$0x3FC7]  }
0x92: {  	[smem:s5], [sflag:s4] =	dma.local [hbm:s2], $0x1  }
0x93: {  	_ =	swait.eq [sflag:s4], $0x1  }
0x94: {  	[sflag:s4] =	ssyncset.done $0x0  }
0x95: {  	[sflag:s4] =	ssyncadd.s32 $0xFFFFFFFF  }
0x96: {  	s17 =	sld [smem:$0x12];
	(tm) =	ssettm $0x1  }
0x97: {  	s18 =	sld [smem:$0x3FFB];
	_ =	sdelay $0x3  }
0x98: {  	_ =	strace s18  }
0x99: {  	s4 =	sld [smem:$0x3FFC];
	_ =	sdelay $0x3  }
0x9a: {  	_ =	strace s4  }
0x9b: {  	s4 =	sld [smem:$0x3FFD];
	_ =	sdelay $0x3  }
0x9c: {  	_ =	strace s4  }
0x9d: {  	_ =	strace $0x8FFFFFFF  }
0x9e: {  	s19 =	sld [smem:$0x3FDB];
	_ =	sdelay $0x1  }
0x9f: {  	s20 =	simm.s32 $_scs_section_size  }
0xa0: {  	s6 =	simm.s32 $_size__tile_overlayer_lowered;
	s7 =	simm.s32 $_tile_overlayer_lowered  }
0xa1: {  	s23 =	simm.s32 $0x1BFF;
	s22 =	sshll.u32 s7, $0x1;
	s4 =	sadd.s32 s20, s19  }
0xa2: {  	s8 =	simm.s32 $0x0;
	s21 =	sshll.u32 s6, $0x1;
	s6 =	sadd.s32 s22, s4  }
0xa3: {  	[timem:s8], [sflag:s23] =	dma.local [hbm:s6], s21  }
0xa4: {  	_ =	swait.ge [sflag:s23], s21  }
0xa5: {  	s5 =	ssub.s32 $0x0, s21;
	[sflag:s23] =	ssyncset.done $0x0  }
0xa6: {  	[sflag:s23] =	ssyncadd.s32 s5;
	_ =	sdelay $0x1  }
0xa7: {  	s24 =	simm.s32 $0x1B8B  }
0xa8: {  	_ =	swait.ge [sflag:s24], $0x1  }
0xa9: {  	[sflag:s24] =	ssyncset.done $0x0  }
0xaa: {  	s25 =	simm.s32 $0x1B8E;
	[sflag:s24] =	ssyncadd.s32 $0xFFFFFFFF  }
0xab: {  	s26 =	simm.s32 $execute0_lowered;
	[smem:$0x3FD2] =	sst s25  }
0xac: {  	s5 =	sshll.u32 s26, $0x1;
	_ =	strace $0x80000046;
	[dreg:$0x1] =	wrdreg $0xFFFFFFFF  }
0xad: {  	s28 =	simm.s32 $_size_execute0_lowered;
	s4 =	sadd.s32 s4, s5;
	[dreg:$0x0] =	wrdreg $0x0  }
0xae: {  	s5 =	sshll.u32 s28, $0x1;
	[dreg:$0x2] =	wrdreg s4  }
0xaf: {  	[dreg:$0x3] =	wrdreg s5  }
0xb0: {  	[dreg:$0x4] =	wrdreg $0xC0  }
0xb1: {  	_ =	task [dreg:s8], $0x5FFFF  }
0xb2: {  	[dreg:$0x1] =	wrdreg $0xFFFFFFFF  }
0xb3: {  	[dreg:$0x0] =	wrdreg $0x60  }
0xb4: {  	[dreg:$0x2] =	wrdreg s16  }
0xb5: {  	[dreg:$0x3] =	wrdreg s17  }
0xb6: {  	[dreg:$0x4] =	wrdreg $0x9  }
0xb7: {  	_ =	task.clear_ibuf [dreg:s8], $0x5FFFF;
	_ =	strace $0x90000046  }
0xb8: {  	s29 =	simm.s32 $0x9;
	_ =	strace $0x80000048  }
0xb9: {  	_ =	swait.ge [sflag:s29], $0x1  }
0xba: {  	[sflag:s29] =	ssyncadd.s32 $0xFFFFFFFF  }
0xbb: {  	_ =	strace $0x90000048  }
0xbc: {  	_ =	sfence  }
0xbd: {  	s30 =	sld [smem:$0x0];
	_ =	sdelay $0x2  }
0xbe: {  	s31 =	sshll.u32 s1, $0xD;
	s1 =	sshrl.u32 s1, $0x2  }
0xbf: {  	s3 =	sand.u32 $0x4000, s31;
	s1 =	sadd.s32 s1, s30  }
0xc0: {  	s0 =	sor.u32 s3, s0;
	s1 =	sshll.u32 s1, $0x11  }
0xc1: {  	s0 =	sor.u32 s1, s0  }
0xc2: {  	s0 =	sadd.s32 $0x8F2B, s0  }
0xc3: {  	[sflag:s0] =	ssyncadd.remote.s32 $0x1  }
0xc4: {  	_ =	sfence.sel $0xFFFF  }
0xc5: {  	[dreg:$0x0] =	wrdreg $0xFFFFFFFF;
	(pc) =	sbr.abs _section_cstart, $3  }
0xc6: {  	[dreg:$0x1] =	wrdreg $0xFFFFFFFF  }
0xc7: {  	_ =	task.clear_ibuf [dreg:s8], $0x2FFFF;
	_ =	strace $0x9FFFFFFF  }
0xc8: {  	(tm) =	ssettm $0x7FFFFFFF  }
0xc9: {  	_ =	shalt  }
tec
execute0_lowered:
.L_overlay_start_1:
0x0: {  	(tag) =	ssettag $0x1  }
0x1: {  	s3 =	rddreg [dreg:$0x0]  }
0x2: {  	s5 =	rddreg [dreg:$0x1]  }
0x3: {  	s0 =	rddreg [dreg:$0x2];
	s4 =	srdreg.scid  }
0x4: {  	s2 =	simm.s32 $0x0;
	s1 =	stileid.u32;
	s4 =	sand.u32 $0x1, s4  }
0x5: {  	s7 =	sshll.u32 s1, $0xC;
	s6 =	sshll.u32 s4, $0x10;
	s31 =	ssub.s32 $0x2, s4  }
0x6: {  	[smem:$0x7FF] =	sst s2;
	s6 =	sor.u32 s7, s6;
	s8 =	sshrl.u32 s31, $0x1  }
0x7: {  	_ =	strace $0x80000047;
	s3 =	sadd.s32 s3, s6;
	s7 =	ssub.s32 s31, s8  }
0x8: {  	[tilespmem:s2], [sflag:$0x1] =	stream.linear.gather [hbm4b:s3+s2], $0x8000, $0x38;
	[tilespmem:$0x8000] =	vst v63  }
0x9: {  	s4 =	simm.s32 $0x1;
	s7 =	smax.u32 s7, $0x1  }
0xa: {  	_ =	swait.ge [sflag:s4], $0x8000;
	p0 =	sne.s32 s7, $0x1  }
.Ltmp0:
0xb: {  	[sflag:s4] =	ssyncset.done $0x0;
	(pc) =	sbr.rel @!p0 .LBB2_2-.Ltmp0, $4  }
0xc: {  	s5 =	sadd.s32 s5, s6;
	s6 =	simm.s32 $0x2;
	[sflag:s4] =	ssyncadd.s32 $0xFFFF8000  }
0xd: {  	[hbm4b:s5+s2] =	stream.linear.scatter [tilespmem:s2], [sflag:$0x2], $0x8000, $0x38;
	[tilespmem:$0x8000] =	vst v63  }
0xe: {  	_ =	swait.ge [sflag:s6], $0x8000  }
0xf: {  	s7 =	sadd.s32 $0xFFFFFFFF, s7;
	[sflag:s6] =	ssyncset.done $0x0  }
.LBB2_1:
0x10: {  	p0 =	sne.s32 s7, $0x1;
	s7 =	sadd.s32 $0xFFFFFFFF, s7;
	[sflag:s6] =	ssyncadd.s32 $0xFFFF8000  }
0x11: {  	[tilespmem:s2], [sflag:$0x1] =	stream.linear.gather [hbm4b:s3+s2], $0x8000, $0x38;
	[tilespmem:$0x8000] =	vst v63  }
0x12: {  	_ =	swait.ge [sflag:s4], $0x8000  }
.Ltmp1:
0x13: {  	[sflag:s4] =	ssyncset.done $0x0;
	(pc) =	sbr.rel @p0 .LBB2_1-.Ltmp1, $4  }
0x14: {  	[sflag:s4] =	ssyncadd.s32 $0xFFFF8000  }
0x15: {  	[hbm4b:s5+s2] =	stream.linear.scatter [tilespmem:s2], [sflag:$0x2], $0x8000, $0x38;
	[tilespmem:$0x8000] =	vst v63  }
0x16: {  	_ =	swait.ge [sflag:s6], $0x8000  }
0x17: {  	[sflag:s6] =	ssyncset.done $0x0  }
.LBB2_2:
0x18: {  	[sflag:s6] =	ssyncadd.s32 $0xFFFF8000  }
0x19: {  	_ =	sfence.sel $0x180000  }
0x1a: {  	[bflag:$0x0] =	sbarrier.arrive $0xFFFF  }
0x1b: {  	p0 =	sne.s32 s1, $0x0;
	_ =	strace $0x90000047  }
0x1c: {  	s0 =	sadd.s32 @!p0 $0x100000, s0;
	[bflag:$0x2] =	sbarrier.arrive $0xFFFF  }
0x1d: {  	[sflag:s0] =	ssyncadd.tile.s32 @!p0 $0x1;
	_ =	shalt  }
.Lfunc_end2:
_tile_overlayer_lowered:
.L_overlay_start_2:
0x1e: {  	(tag) =	ssettag $0x2  }
0x1f: {  	s0 =	rddreg [dreg:$0x0];
	s2 =	stileid.u32  }
0x20: {  	s1 =	rddreg [dreg:$0x1];
	p0 =	sne.s32 s2, $0x0  }
0x21: {  	s3 =	rddreg [dreg:$0x2];
	[bflag:$0x3] =	sbarrier.arrive $0xFFFF;
	s2 =	simm.s32 @!p0 $0x1C03  }
0x22: {  	[timem:s3], [sflag:s2] =	dma.local @!p0 [hbm:s0], s1  }
0x23: {  	s0 =	simm.s32 @!p0 $0x3  }
0x24: {  	_ =	swait.ge @!p0 [sflag:s0], s1  }
0x25: {  	s1 =	ssub.s32 @!p0 $0x0, s1;
	[sflag:s0] =	ssyncset.done @!p0 $0x0  }
0x26: {  	[sflag:s0] =	ssyncadd.s32 @!p0 s1  }
0x27: {  	[bflag:$0x3] =	sbarrier.arrive $0xFFFF  }
0x28: {  	_ =	shalt  }

</sc_bundles>
